<compile_context>
chip_gen: v7x
topology: tpu7x:2x2x1
jax: 0.10.2.dev20260603
libtpu: 0.0.44.dev20260713+nightly
codegen_flags: <defaults>
</compile_context>

<pallas_src>
import jax
import jax.numpy as jnp
from jax import lax
from jax.experimental import pallas as pl
from jax.experimental.pallas import tpu as pltpu
from jax.experimental.pallas import tpu_sc as plsc

B = 16384
R_IN = 26
R_OUT = 11
R_HI = 23
D = 64
RUNS = ((0, 2, 0), (6, 1, 2), (12, 4, 3), (17, 1, 7), (20, 3, 8))

NC, NS = 2, 16
NW = NC * NS
BPW = B // NW
NB = 16
NCHUNK = BPW // NB
NPAIR = NCHUNK // 2

W_IN = R_IN * D
W_HI = R_HI * D
W_OUT = R_OUT * D



def _sc_body(in_hbm, out_hbm, ibuf, obuf, rs0, rs1, ws0, ws1):
    pass


@jax.jit
def kernel(inputs):
    in2 = inputs.reshape(B, W_IN)
    mesh = plsc.VectorSubcoreMesh(core_axis_name="c", subcore_axis_name="s")
    out2 = pl.kernel(
        _sc_body,
        out_type=jax.ShapeDtypeStruct((B, W_OUT), jnp.float32),
        mesh=mesh,
        scratch_types=[
            pltpu.VMEM((2, NB, W_HI), jnp.float32),
            pltpu.VMEM((2, NB, W_OUT), jnp.float32),
            pltpu.SemaphoreType.DMA,
            pltpu.SemaphoreType.DMA,
            pltpu.SemaphoreType.DMA,
            pltpu.SemaphoreType.DMA,
        ],
        compiler_params=pltpu.CompilerParams(use_tc_tiling_on_sc=False),
    )(in2)
    return out2.reshape(B, R_OUT, D)

# --- scband reference (transcript-rebuilt; emitter-appended) ---
"""Pipeline reference for scband-select-generators-layer-45226005627131 (READ-ONLY COPY).

The authoritative reference and input builder live on the scoring server;
editing this copy changes nothing except your own understanding.
"""

import jax, jax.numpy as jnp
import numpy as np

INDICES = jnp.array([0, 1, 6, 12, 13, 14, 15, 17, 20, 21, 22], dtype=jnp.int32)

def setup_inputs(seed: int = 0) -> dict:
    key = jax.random.key(seed)
    inputs = jax.random.normal(key, (16384, 26, 64), dtype=jnp.float32)
    return {"inputs": inputs}

def reference(inputs):
    return jnp.take(inputs, INDICES, axis=1)

if __name__ == "__main__":
    import jax
    _d = setup_inputs()
    print(jax.jit(kernel)(*tuple(_d.values())))

</pallas_src>

<mosaic_0001>
#map = affine_map<(d0, d1) -> (0, 0)>
module attributes {stable_mosaic.version = 14 : i64} {
  func.func @_sc_body(%arg0: i32, %arg1: i32, %arg2: memref<16384x1664xf32, #tpu.memory_space<hbm>>, %arg3: memref<16384x704xf32, #tpu.memory_space<hbm>>, %arg4: memref<2x16x1472xf32, #tpu.memory_space<vmem>>, %arg5: memref<2x16x704xf32, #tpu.memory_space<vmem>>, %arg6: memref<!tpu.dma_semaphore, #tpu.memory_space<semaphore_mem>>, %arg7: memref<!tpu.dma_semaphore, #tpu.memory_space<semaphore_mem>>, %arg8: memref<!tpu.dma_semaphore, #tpu.memory_space<semaphore_mem>>, %arg9: memref<!tpu.dma_semaphore, #tpu.memory_space<semaphore_mem>>) attributes {dimension_semantics = [#tpu.dimension_semantics<core_parallel>, #tpu.dimension_semantics<subcore_parallel>], iteration_bounds = array<i64: 2, 16>, scalar_prefetch = 0 : i64, scratch_operands = 6 : i64, tpu.core_type = #tpu.core_type<sc_vector_subcore>, window_params = [{transform_indices = #map}, {transform_indices = #map}]} {
    return
  }
}

</mosaic_0001>

<sc_bundles>
// kernel: kernel.3.cloned.1.call-start
scs
__scs_entry_jumppad:
0x0: {  	(pc) =	sbr.rel $0x88, $3  }
0x1: {  	(tag) =	ssettag $0x0;
	lr =	simm.s32 $0x1  }
0x2: {  	[smem:$0x3FA0] =	sst lr;
	_ =	strace $0xD0000000  }
0x3: {  	_ = 	snop  }
0x4: {  	_ = 	snop  }
0x5: {  	_ = 	snop  }
0x6: {  	_ = 	snop  }
0x7: {  	_ = 	snop  }
__scs_overlays_trampoline_lowered:
0x8: {  	[smem:$0x3FAF] =	sst s0  }
0x9: {  	[smem:$0x3FB0] =	sst s1  }
0xa: {  	[smem:$0x3FB1] =	sst s2  }
0xb: {  	[smem:$0x3FB2] =	sst s3  }
0xc: {  	[smem:$0x3FB3] =	sst s4  }
0xd: {  	[smem:$0x3FB4] =	sst s5  }
0xe: {  	[smem:$0x3FB5] =	sst s6  }
0xf: {  	[smem:$0x3FB6] =	sst s7  }
0x10: {  	[smem:$0x3FB7] =	sst s8  }
0x11: {  	[smem:$0x3FB8] =	sst s9;
	s0 =	simm.s32 @!p0 $0x0  }
0x12: {  	s1 =	sld [smem:$0x3F9E];
	s0 =	simm.s32 @p0 $0x1  }
0x13: {  	[smem:$0x3FB9] =	sst s0;
	s0 =	simm.s32 @!p1 $0x0  }
0x14: {  	s2 =	sld [smem:$0x3F9D];
	s0 =	simm.s32 @p1 $0x1  }
0x15: {  	[smem:$0x3FBA] =	sst s0;
	s0 =	simm.s32 @!p2 $0x0  }
0x16: {  	s3 =	sld [smem:$0x3FDB];
	s0 =	simm.s32 @p2 $0x1  }
0x17: {  	s4 =	simm.s32 $0x1BF5;
	[smem:$0x3FBC] =	sst s0  }
0x18: {  	s0 =	sld [smem:$0x3F9F];
	_ =	swait.ge [sflag:s4], $0x0  }
0x19: {  	s7 =	sld [smem:$0x3FA0]  }
0x1a: {  	s8 =	sadd.s32 $0xFFFFE003, lr  }
0x1b: {  	s9 =	sadd.s32 $0xFFFFFEF7, lr;
	s5 =	simm.s32 $0xFFFFFFFF;
	p2 =	slt.u32 s8, $0xFFFFF086  }
0x1c: {  	p1 =	slt.u32 s9, $0xF7A;
	s5 =	simm.s32 @!p2 $0x0  }
0x1d: {  	s5 =	simm.s32 @p1 $0x1;
	p0 =	seq.s32 s7, s2  }
0x1e: {  	s7 =	smul.u32 @!p0 $0xF7A, s2;
	p2 =	seq.s32 @!p0 s5, $0x0  }
0x1f: {  	s9 =	smul.u32 $0xF7A, s1;
	s8 =	simm.s32 @!p0 $0x1BF5;
	p2 =	por !p2, p0  }
0x20: {  	[sflag:s8] =	ssyncset.s32 @!p0 $0xFFFFF086;
	s6 =	sadd.s32 @!p0 s3, s7;
	s7 =	simm.s32 @!p0 $0x108  }
0x21: {  	s3 =	sadd.s32 s3, s9;
	s6 =	sadd.s32 @!p0 $0x88, s6;
	s7 =	simm.s32 @p2 $0x1082  }
0x22: {  	[simem:s7], [sflag:s8] =	dma.local @!p0 [hbm:s6], $0xF7A  }
0x23: {  	s9 =	sor.u32 $0xD0000000, s2;
	s6 =	simm.s32 $0x108;
	_ =	swait.ge @!p0 [sflag:s8], $0x0  }
0x24: {  	s3 =	sadd.s32 $0x88, s3;
	s6 =	simm.s32 @!p1 $0x1082;
	[sflag:s4] =	ssyncset.s32 $0xFFFFF086  }
0x25: {  	[simem:s6], [sflag:s4] =	dma.local [hbm:s3], $0xF7A  }
0x26: {  	[smem:$0x3FA0] =	sst s1;
	(tag) =	ssettag s2;
	_ =	strace s9  }
0x27: {  	s1 =	sld [smem:$0x3FB0]  }
0x28: {  	s2 =	sld [smem:$0x3FB1]  }
0x29: {  	s4 =	sld [smem:$0x3FB3]  }
0x2a: {  	p0 =	seq.s32 s5, $0x0;
	s5 =	sld [smem:$0x3FB4]  }
0x2b: {  	s6 =	sld [smem:$0x3FB5]  }
0x2c: {  	s7 =	sld [smem:$0x3FB6]  }
0x2d: {  	s3 =	simm.s32 $0x108;
	s8 =	sld [smem:$0x3FB7]  }
0x2e: {  	s3 =	simm.s32 @!p0 $0x1082;
	s9 =	sld [smem:$0x3FB8]  }
0x2f: {  	lr =	sadd.s32 s0, s3;
	s0 =	sld [smem:$0x3FAF]  }
0x30: {  	s3 =	sld [smem:$0x3FB2]  }
0x31: {  	[smem:$0x3FBB] =	sst s10  }
0x32: {  	s10 =	sld [smem:$0x3FB9];
	_ =	sdelay $0x3  }
0x33: {  	p0 =	seq.s32 s10, $0x1;
	s10 =	sld [smem:$0x3FBB];
	_ =	sdelay $0x3  }
0x34: {  	[smem:$0x3FBB] =	sst s10  }
0x35: {  	s10 =	sld [smem:$0x3FBA];
	_ =	sdelay $0x3  }
0x36: {  	p1 =	seq.s32 s10, $0x1;
	s10 =	sld [smem:$0x3FBB];
	_ =	sdelay $0x3  }
0x37: {  	[smem:$0x3FBB] =	sst s10  }
0x38: {  	s10 =	sld [smem:$0x3FBC]  }
0x39: {  	_ = 	snop;
	(pc) =	sbr.ind lr, $3  }
0x3a: {  	_ = 	snop  }
0x3b: {  	_ = 	snop  }
0x3c: {  	p2 =	seq.s32 s10, $0x1;
	s10 =	sld [smem:$0x3FBB]  }
0x3d: {  	_ =	shalt  }
0x3e: {  	_ =	shalt  }
0x3f: {  	_ =	shalt  }
0x40: {  	_ =	shalt  }
0x41: {  	_ =	shalt  }
0x42: {  	_ =	shalt  }
0x43: {  	_ =	shalt  }
0x44: {  	_ =	shalt  }
0x45: {  	_ =	shalt  }
0x46: {  	_ =	shalt  }
0x47: {  	_ =	shalt  }
0x48: {  	_ =	shalt  }
0x49: {  	_ =	shalt  }
0x4a: {  	_ =	shalt  }
0x4b: {  	_ =	shalt  }
0x4c: {  	_ =	shalt  }
0x4d: {  	_ =	shalt  }
0x4e: {  	_ =	shalt  }
0x4f: {  	_ =	shalt  }
0x50: {  	_ =	shalt  }
0x51: {  	_ =	shalt  }
0x52: {  	_ =	shalt  }
0x53: {  	_ =	shalt  }
0x54: {  	_ =	shalt  }
0x55: {  	_ =	shalt  }
0x56: {  	_ =	shalt  }
0x57: {  	_ =	shalt  }
0x58: {  	_ =	shalt  }
0x59: {  	_ =	shalt  }
0x5a: {  	_ =	shalt  }
0x5b: {  	_ =	shalt  }
0x5c: {  	_ =	shalt  }
0x5d: {  	_ =	shalt  }
0x5e: {  	_ =	shalt  }
0x5f: {  	_ =	shalt  }
0x60: {  	_ =	shalt  }
0x61: {  	_ =	shalt  }
0x62: {  	_ =	shalt  }
0x63: {  	_ =	shalt  }
0x64: {  	_ =	shalt  }
0x65: {  	_ =	shalt  }
0x66: {  	_ =	shalt  }
0x67: {  	_ =	shalt  }
0x68: {  	_ =	shalt  }
0x69: {  	_ =	shalt  }
0x6a: {  	_ =	shalt  }
0x6b: {  	_ =	shalt  }
0x6c: {  	_ =	shalt  }
0x6d: {  	_ =	shalt  }
0x6e: {  	_ =	shalt  }
0x6f: {  	_ =	shalt  }
0x70: {  	_ =	shalt  }
0x71: {  	_ =	shalt  }
0x72: {  	_ =	shalt  }
0x73: {  	_ =	shalt  }
0x74: {  	_ =	shalt  }
0x75: {  	_ =	shalt  }
0x76: {  	_ =	shalt  }
0x77: {  	_ =	shalt  }
0x78: {  	_ =	shalt  }
0x79: {  	_ =	shalt  }
0x7a: {  	_ =	shalt  }
0x7b: {  	_ =	shalt  }
0x7c: {  	_ =	shalt  }
0x7d: {  	_ =	shalt  }
0x7e: {  	_ =	shalt  }
0x7f: {  	_ =	shalt  }
0x80: {  	_ =	shalt  }
0x81: {  	_ =	shalt  }
0x82: {  	_ =	shalt  }
0x83: {  	_ =	shalt  }
0x84: {  	_ =	shalt  }
0x85: {  	_ =	shalt  }
0x86: {  	_ =	shalt  }
0x87: {  	_ =	shalt  }
.Lfunc_end0:
.L_simem_size_0:
called_computation.2_lowered:
.L_overlay_start_0:
0x88: {  	s1 =	sld [smem:$0x3FD9]  }
0x89: {  	s2 =	sld [smem:$0x3FFE];
	_ =	sdelay $0x1  }
0x8a: {  	s3 =	srdreg.scid  }
0x8b: {  	s0 =	sand.u32 $0x1, s3  }
0x8c: {  	s17 =	sshll.u32 s0, $0xA;
	s1 =	sadd.s32 s2, s1  }
0x8d: {  	s1 =	sadd.s32 s1, s17  }
0x8e: {  	[smem:$0x3FC7] =	sst s1  }
0x8f: {  	_ = 	snop  }
0x90: {  	(tm) =	ssettm $0x1  }
0x91: {  	s18 =	sld [smem:$0x3FFB];
	_ =	sdelay $0x3  }
0x92: {  	_ =	strace s18  }
0x93: {  	s1 =	sld [smem:$0x3FFC];
	_ =	sdelay $0x3  }
0x94: {  	_ =	strace s1  }
0x95: {  	s1 =	sld [smem:$0x3FFD];
	_ =	sdelay $0x3  }
0x96: {  	_ =	strace s1  }
0x97: {  	_ =	strace $0x8FFFFFFF  }
0x98: {  	s19 =	sld [smem:$0x3FDB];
	_ =	sdelay $0x1  }
0x99: {  	s20 =	simm.s32 $_scs_section_size  }
0x9a: {  	s4 =	simm.s32 $_size__tile_overlayer_lowered;
	s5 =	simm.s32 $_tile_overlayer_lowered  }
0x9b: {  	s23 =	simm.s32 $0x1BFF;
	s22 =	sshll.u32 s5, $0x1;
	s1 =	sadd.s32 s20, s19  }
0x9c: {  	s6 =	simm.s32 $0x0;
	s21 =	sshll.u32 s4, $0x1;
	s4 =	sadd.s32 s22, s1  }
0x9d: {  	[timem:s6], [sflag:s23] =	dma.local [hbm:s4], s21  }
0x9e: {  	_ =	swait.ge [sflag:s23], s21  }
0x9f: {  	s2 =	ssub.s32 $0x0, s21;
	[sflag:s23] =	ssyncset.done $0x0  }
0xa0: {  	[sflag:s23] =	ssyncadd.s32 s2;
	_ =	sdelay $0x1  }
0xa1: {  	s24 =	simm.s32 $0x1B8B  }
0xa2: {  	_ =	swait.ge [sflag:s24], $0x1  }
0xa3: {  	[sflag:s24] =	ssyncset.done $0x0  }
0xa4: {  	s25 =	simm.s32 $0x1B8E;
	[sflag:s24] =	ssyncadd.s32 $0xFFFFFFFF  }
0xa5: {  	s26 =	simm.s32 $execute0_lowered;
	[smem:$0x3FD2] =	sst s25  }
0xa6: {  	s2 =	sshll.u32 s26, $0x1;
	_ =	strace $0x80000049;
	[dreg:$0x1] =	wrdreg $0xFFFFFFFF  }
0xa7: {  	s28 =	simm.s32 $_size_execute0_lowered;
	s1 =	sadd.s32 s1, s2;
	[dreg:$0x0] =	wrdreg $0x0  }
0xa8: {  	s2 =	sshll.u32 s28, $0x1;
	[dreg:$0x2] =	wrdreg s1  }
0xa9: {  	[dreg:$0x3] =	wrdreg s2  }
0xaa: {  	[dreg:$0x4] =	wrdreg $0xC0  }
0xab: {  	_ =	task [dreg:s6], $0x5FFFF  }
0xac: {  	[dreg:$0x1] =	wrdreg $0xFFFFFFFF  }
0xad: {  	[dreg:$0x0] =	wrdreg $0x60  }
0xae: {  	[dreg:$0x2] =	wrdreg $0x9  }
0xaf: {  	_ =	task.clear_ibuf [dreg:s6], $0x3FFFF;
	_ =	strace $0x90000049  }
0xb0: {  	s29 =	simm.s32 $0x9;
	_ =	strace $0x8000004B  }
0xb1: {  	_ =	swait.ge [sflag:s29], $0x1  }
0xb2: {  	[sflag:s29] =	ssyncadd.s32 $0xFFFFFFFF  }
0xb3: {  	_ =	strace $0x9000004B  }
0xb4: {  	_ =	sfence  }
0xb5: {  	s30 =	sld [smem:$0x0];
	_ =	sdelay $0x2  }
0xb6: {  	s31 =	sshll.u32 s3, $0xD;
	s3 =	sshrl.u32 s3, $0x2  }
0xb7: {  	s2 =	sand.u32 $0x4000, s31;
	s1 =	sadd.s32 s3, s30  }
0xb8: {  	s0 =	sor.u32 s2, s0;
	s1 =	sshll.u32 s1, $0x11  }
0xb9: {  	s0 =	sor.u32 s1, s0  }
0xba: {  	s0 =	sadd.s32 $0x8F2B, s0  }
0xbb: {  	[sflag:s0] =	ssyncadd.remote.s32 $0x1  }
0xbc: {  	_ =	sfence.sel $0xFFFF  }
0xbd: {  	[dreg:$0x0] =	wrdreg $0xFFFFFFFF;
	(pc) =	sbr.abs _section_cstart, $3  }
0xbe: {  	[dreg:$0x1] =	wrdreg $0xFFFFFFFF  }
0xbf: {  	_ =	task.clear_ibuf [dreg:s6], $0x2FFFF;
	_ =	strace $0x9FFFFFFF  }
0xc0: {  	(tm) =	ssettm $0x7FFFFFFF  }
0xc1: {  	_ =	shalt  }
tec
execute0_lowered:
.L_overlay_start_1:
0x0: {  	(tag) =	ssettag $0x1  }
0x1: {  	s0 =	rddreg [dreg:$0x0];
	_ =	strace $0x8000004A  }
0x2: {  	_ =	sfence.sel $0x180000  }
0x3: {  	s1 =	stileid.u32;
	[bflag:$0x0] =	sbarrier.arrive $0xFFFF  }
0x4: {  	p0 =	sne.s32 s1, $0x0;
	_ =	strace $0x9000004A  }
0x5: {  	s0 =	sadd.s32 @!p0 $0x100000, s0;
	[bflag:$0x2] =	sbarrier.arrive $0xFFFF  }
0x6: {  	[sflag:s0] =	ssyncadd.tile.s32 @!p0 $0x1;
	_ =	shalt  }
.Lfunc_end2:
_tile_overlayer_lowered:
.L_overlay_start_2:
0x7: {  	(tag) =	ssettag $0x2  }
0x8: {  	s0 =	rddreg [dreg:$0x0];
	s2 =	stileid.u32  }
0x9: {  	s1 =	rddreg [dreg:$0x1];
	p0 =	sne.s32 s2, $0x0  }
0xa: {  	s3 =	rddreg [dreg:$0x2];
	[bflag:$0x3] =	sbarrier.arrive $0xFFFF;
	s2 =	simm.s32 @!p0 $0x1C01  }
0xb: {  	[timem:s3], [sflag:s2] =	dma.local @!p0 [hbm:s0], s1  }
0xc: {  	s0 =	simm.s32 @!p0 $0x1  }
0xd: {  	_ =	swait.ge @!p0 [sflag:s0], s1  }
0xe: {  	s1 =	ssub.s32 @!p0 $0x0, s1;
	[sflag:s0] =	ssyncset.done @!p0 $0x0  }
0xf: {  	[sflag:s0] =	ssyncadd.s32 @!p0 s1  }
0x10: {  	[bflag:$0x3] =	sbarrier.arrive $0xFFFF  }
0x11: {  	_ =	shalt  }

// kernel: sparse-core-data-format-call.1.cloned.1.call-start
scs
called_computation.1_lowered:
.L_overlay_start_0:
0x0: {  	s2 =	sld [smem:$0x3FD9]  }
0x1: {  	s3 =	sld [smem:$0x3FFE];
	_ =	sdelay $0x1  }
0x2: {  	s1 =	srdreg.scid  }
0x3: {  	s0 =	sand.u32 $0x1, s1  }
0x4: {  	s18 =	sshll.u32 s0, $0xA;
	s2 =	sadd.s32 s3, s2  }
0x5: {  	s2 =	sadd.s32 s2, s18  }
0x6: {  	[smem:$0x3FC7] =	sst s2  }
0x7: {  	_ = 	snop  }
0x8: {  	s2 =	sld [smem:$0x3FC9];
	(tm) =	ssettm $0x1  }
0x9: {  	s19 =	sld [smem:$0x3FFB];
	_ =	sdelay $0x3  }
0xa: {  	_ =	strace s19  }
0xb: {  	s3 =	sld [smem:$0x3FFC];
	_ =	sdelay $0x3  }
0xc: {  	_ =	strace s3  }
0xd: {  	s3 =	sld [smem:$0x3FFD];
	_ =	sdelay $0x3  }
0xe: {  	_ =	strace s3  }
0xf: {  	_ =	strace $0x8FFFFFFF  }
0x10: {  	s20 =	sld [smem:$0x3FDB];
	_ =	sdelay $0x1  }
0x11: {  	s4 =	simm.s32 $_scs_section_size  }
0x12: {  	s5 =	simm.s32 $_size__tile_overlayer_lowered;
	s6 =	simm.s32 $_tile_overlayer_lowered  }
0x13: {  	s23 =	simm.s32 $0x1BFF;
	s22 =	sshll.u32 s6, $0x1;
	s3 =	sadd.s32 s4, s20  }
0x14: {  	s7 =	simm.s32 $0x0;
	s21 =	sshll.u32 s5, $0x1;
	s5 =	sadd.s32 s22, s3  }
0x15: {  	[timem:s7], [sflag:s23] =	dma.local [hbm:s5], s21  }
0x16: {  	_ =	swait.ge [sflag:s23], s21  }
0x17: {  	s4 =	ssub.s32 $0x0, s21;
	[sflag:s23] =	ssyncset.done $0x0  }
0x18: {  	[sflag:s23] =	ssyncadd.s32 s4;
	_ =	sdelay $0x1  }
0x19: {  	s24 =	simm.s32 $0x1B8B  }
0x1a: {  	_ =	swait.ge [sflag:s24], $0x1  }
0x1b: {  	[sflag:s24] =	ssyncset.done $0x0  }
0x1c: {  	s26 =	simm.s32 $0x1B8E;
	s25 =	sld [smem:$0x3FFE];
	[sflag:s24] =	ssyncadd.s32 $0xFFFFFFFF  }
0x1d: {  	s27 =	simm.s32 $execute0_lowered;
	[smem:$0x3FD2] =	sst s26  }
0x1e: {  	s5 =	sshll.u32 s27, $0x1;
	_ =	strace $0x80000046;
	[dreg:$0x1] =	wrdreg $0xFFFFFFFF  }
0x1f: {  	s28 =	simm.s32 $_size_execute0_lowered;
	s3 =	sadd.s32 s3, s5;
	[dreg:$0x0] =	wrdreg $0x0  }
0x20: {  	s5 =	sshll.u32 s28, $0x1;
	[dreg:$0x2] =	wrdreg s3  }
0x21: {  	[dreg:$0x3] =	wrdreg s5  }
0x22: {  	[dreg:$0x4] =	wrdreg $0xC0  }
0x23: {  	_ =	task [dreg:s7], $0x5FFFF  }
0x24: {  	[dreg:$0x1] =	wrdreg $0xFFFFFFFF  }
0x25: {  	[dreg:$0x0] =	wrdreg $0x60  }
0x26: {  	[dreg:$0x2] =	wrdreg s2  }
0x27: {  	[dreg:$0x3] =	wrdreg s25  }
0x28: {  	[dreg:$0x4] =	wrdreg $0x9  }
0x29: {  	_ =	task.clear_ibuf [dreg:s7], $0x5FFFF;
	_ =	strace $0x90000046  }
0x2a: {  	s29 =	simm.s32 $0x9;
	_ =	strace $0x80000048  }
0x2b: {  	_ =	swait.ge [sflag:s29], $0x1  }
0x2c: {  	[sflag:s29] =	ssyncadd.s32 $0xFFFFFFFF  }
0x2d: {  	_ =	strace $0x90000048  }
0x2e: {  	_ =	sfence  }
0x2f: {  	s30 =	sld [smem:$0x0];
	_ =	sdelay $0x2  }
0x30: {  	s31 =	sshll.u32 s1, $0xD;
	s1 =	sshrl.u32 s1, $0x2  }
0x31: {  	s3 =	sand.u32 $0x4000, s31;
	s1 =	sadd.s32 s1, s30  }
0x32: {  	s0 =	sor.u32 s3, s0;
	s1 =	sshll.u32 s1, $0x11  }
0x33: {  	s0 =	sor.u32 s1, s0  }
0x34: {  	s0 =	sadd.s32 $0x8F2B, s0  }
0x35: {  	[sflag:s0] =	ssyncadd.remote.s32 $0x1  }
0x36: {  	_ =	sfence.sel $0xFFFF  }
0x37: {  	[dreg:$0x0] =	wrdreg $0xFFFFFFFF;
	(pc) =	sbr.abs _section_cstart, $3  }
0x38: {  	[dreg:$0x1] =	wrdreg $0xFFFFFFFF  }
0x39: {  	_ =	task.clear_ibuf [dreg:s7], $0x2FFFF;
	_ =	strace $0x9FFFFFFF  }
0x3a: {  	(tm) =	ssettm $0x7FFFFFFF  }
0x3b: {  	_ =	shalt  }
tec
execute0_lowered:
.L_overlay_start_1:
0x0: {  	(tag) =	ssettag $0x1  }
0x1: {  	s0 =	srdreg.scid  }
0x2: {  	s1 =	sshll.u32 s0, $0x4  }
0x3: {  	s0 =	stileid.u32;
	s1 =	sand.u32 $0x10, s1  }
0x4: {  	s3 =	rddreg [dreg:$0x0];
	s1 =	sor.u32 s0, s1  }
0x5: {  	s6 =	rddreg [dreg:$0x1];
	s2 =	sshll.u32 s1, $0x7  }
0x6: {  	s7 =	simm.s32 $0x2;
	s13 =	simm.s32 $0x0;
	s1 =	ssub.s32 $0x4000, s2  }
0x7: {  	s8 =	simm.s32 $0x3400;
	s12 =	simm.s32 $0x0;
	s4 =	sand.u32 $0xF80, s1  }
0x8: {  	s10 =	simm.s32 $0x0;
	p0 =	sne.s32 s4, $0x0;
	s4 =	simm.s32 $0x1  }
.Ltmp0:
0x9: {  	s5 =	sshrl.u32 s1, $0xC;
	s4 =	simm.s32 @!p0 $0x0;
	(pc) =	sbr.rel .LBB1_1-.Ltmp0, $4  }
0xa: {  	s11 =	simm.s32 $0x0;
	s1 =	rddreg [dreg:$0x2];
	s5 =	sadd.s32 s4, s5  }
0xb: {  	_ =	strace $0x80000047;
	s4 =	simm.s32 $0x1;
	s5 =	smul.u32 $0xD, s5  }
0xc: {  	s6 =	sadd.s32 $0xC00, s6;
	s9 =	smov.u32 s2;
	[sflag:s4] =	ssyncpa.u1 $0x0  }
0xd: {  	p0 =	por $0x0, $0x0;
	[sflag:s7] =	ssyncpa.u1 $0x0;
	s7 =	sadd.s32 $0x1, s5  }
.LBB1_4:
0xe: {  	s19 =	sshrl.u32 s13, $0x3  }
0xf: {  	s20 =	sshll.u32 s12, $0x3;
	s19 =	smul.u32 $0x3400, s19  }
0x10: {  	s29 =	sshll.u32 s13, $0x7;
	s20 =	sand.u32 $0xFFFFFC00, s20  }
0x11: {  	v5 =	vld [tilespmem:s17+$0xFFFFFFD0];
	[tilespmem:s16+$0x2040 ss:$0x81] =	vst.msk $0xffff, v4;
	s13 =	sand.u32 $0x380, s29;
	s19 =	sadd.s32 s20, s19  }
0x12: {  	v58 =	vld [tilespmem:s17+$0xFFFFFFE0];
	[tilespmem:s16+$0x2850 ss:$0x81] =	vst.msk $0xffff, v3;
	s30 =	sand.u32 $0x7F, s12;
	s13 =	sor.u32 s13, s19  }
0x13: {  	s18 =	sshra.s32 s18, $0x2;
	v59 =	vld [tilespmem:s17+$0xFFFFFFF0];
	[tilespmem:s16+$0x3060 ss:$0x81] =	vst.msk $0xffff, v2;
	s12 =	sor.u32 s30, s13  }
0x14: {  	v60 =	vld [tilespmem:s17+$0x0];
	[tilespmem:s16+$0x0 ss:$0x81] =	vst.msk $0xffff, v0;
	s15 =	sadd.s32 s18, s15;
	s31 =	smulhi.u32 $0x4EC4EC4F, s12  }
0x15: {  	v61 =	vld [tilespmem:s17+$0x10];
	[tilespmem:s15+$0x3870 ss:$0x81] =	vst.msk $0xffff, v1  }
0x16: {  	v62 =	vld [tilespmem:s17+$0x20];
	[tilespmem:s15+$0x810 ss:$0x81] =	vst.msk $0xffff, v5;
	s13 =	smulhi.u32 $0x4EC4EC4F, s13;
	s16 =	sshrl.u32 s31, $0x9  }
0x17: {  	v63 =	vld [tilespmem:s17+$0xFFFFFFC0];
	[tilespmem:s15+$0x1020 ss:$0x81] =	vst.msk $0xffff, v58;
	s16 =	smul.u32 $0x680, s16  }
0x18: {  	[tilespmem:s15+$0x1830 ss:$0x81] =	vst.msk $0xffff, v59;
	s13 =	sshrl.u32 s13, $0x9  }
0x19: {  	[tilespmem:s15+$0x2040 ss:$0x81] =	vst.msk $0xffff, v60;
	s13 =	sand.u32 $0x3FFF, s13;
	s12 =	ssub.s32 s12, s16  }
0x1a: {  	[tilespmem:s15+$0x2850 ss:$0x81] =	vst.msk $0xffff, v61;
	s13 =	smul.u32 $0xD0, s13;
	s16 =	sshrl.u32 s12, $0x3;
	s12 =	sand.u32 $0x7, s12  }
0x1b: {  	[tilespmem:s15+$0x3060 ss:$0x81] =	vst.msk $0xffff, v62;
	s16 =	sadd.s32 s6, s16;
	s12 =	sshll.u32 s12, $0x12  }
0x1c: {  	[tilespmem:s15+$0x0 ss:$0x81] =	vst.msk $0xffff, v63;
	s13 =	sadd.s32 s13, s16;
	s12 =	sor.u32 $0x400, s12  }
0x1d: {  	[hbm4b:s13+s12] =	stream.strided.scatter [tilespmem:s14], [sflag:$0x2], $0x4000, s8, s12, $0x20;
	[tilespmem:$0x10100] =	vst v63  }
.LBB1_5:
0x1e: {  	s14 =	sadd.s32 $0x1000, s9  }
0x1f: {  	s12 =	sadd.s32 $0x80, s10;
	s16 =	smov.u32 s10;
	p2 =	sgt.s32 s14, $0x3FFF  }
0x20: {  	s16 =	smov.u32 @p2 s12  }
0x21: {  	s14 =	smov.u32 @p2 s2;
	p2 =	sgt.s32 s16, $0x67F  }
0x22: {  	s16 =	simm.s32 @p2 $0x0;
	p2 =	sne.s32 s11, s7  }
.Ltmp1:
0x23: {  	p1 =	slt.u32 s11, $0x2;
	(pc) =	sbr.rel @!p2 .LBB1_6-.Ltmp1, $4  }
0x24: {  	s15 =	simm.s32 @!p1 $0x2  }
0x25: {  	s13 =	smov.u32 s9;
	p0 =	por !p0, !p0;
	_ =	swait.ge @!p1 [sflag:s15], $0x4000  }
0x26: {  	s12 =	smov.u32 s10;
	[sflag:s15] =	ssyncset.done @!p1 $0x0;
	s9 =	smov.u32 s14  }
0x27: {  	s11 =	sadd.s32 $0x1, s11;
	[sflag:s15] =	ssyncadd.s32 @!p1 $0xFFFFC000;
	s10 =	smov.u32 s16  }
.LBB1_1:
0x28: {  	p1 =	sge.u32 s11, s5  }
0x29: {  	s14 =	sshll.u32 @!p1 s10, $0xE  }
0x2a: {  	s15 =	sshll.u32 @!p1 s9, $0x3;
	s14 =	sand.u32 @!p1 $0xFFFE0000, s14  }
0x2b: {  	s14 =	sadd.s32 @!p1 s14, s15  }
0x2c: {  	s16 =	sshll.u32 @!p1 s10, $0x7;
	s14 =	sshrl.u32 @!p1 s14, $0xE  }
0x2d: {  	s17 =	sand.u32 @!p1 $0x78, s9;
	s16 =	sand.u32 @!p1 $0x380, s16;
	s18 =	smulhi.u32 @!p1 $0x276277, s14  }
0x2e: {  	s31 =	sadd.s32 $0xFFFFFFFF, s11;
	s16 =	sor.u32 @!p1 s16, s17  }
0x2f: {  	s17 =	sxor.u32 @!p1 $0xFFFFFFFF, s11;
	s15 =	sand.u32 @!p1 $0x3C00, s15;
	s18 =	smul.u32 @!p1 $0x680, s18  }
0x30: {  	s17 =	sshll.u32 @!p1 s17, $0xE;
	s15 =	sor.u32 @!p1 s15, s16;
	s16 =	sand.u32 @!p1 $0x7, s9  }
0x31: {  	s17 =	sand.u32 @!p1 $0x4000, s17;
	s15 =	sshrl.u32 @!p1 s15, $0x3;
	s14 =	ssub.s32 @!p1 s14, s18  }
0x32: {  	s16 =	sshll.u32 @!p1 s16, $0x12;
	s15 =	sadd.s32 @!p1 s3, s15;
	s14 =	sshll.u32 @!p1 s14, $0xB  }
0x33: {  	s14 =	sadd.s32 @!p1 s14, s15;
	s15 =	sor.u32 @!p1 $0x400, s16;
	s16 =	simm.s32 @!p1 $0x20000  }
0x34: {  	[tilespmem:s17], [sflag:$0x1] =	stream.strided.gather @!p1 [hbm4b:s14+s15], $0x4000, s16, s15, $0x38;
	[tilespmem:$0x10100] =	vst v63  }
0x35: {  	p1 =	sge.u32 s31, s5  }
.Ltmp2:
0x36: {  	_ = 	snop;
	(pc) =	sbr.rel @p1 .LBB1_5-.Ltmp2, $1  }
0x37: {  	_ =	sdelay $0x3  }
0x38: {  	s14 =	simm.s32 $0x1  }
0x39: {  	_ =	swait.ge [sflag:s4], $0x4000;
	s14 =	simm.s32 @!p0 $0x0  }
0x3a: {  	[sflag:s4] =	ssyncset.done $0x0;
	s15 =	sshll.u32 s14, $0xE  }
0x3b: {  	[sflag:s4] =	ssyncadd.s32 $0xFFFFC000;
	s17 =	sor.u32 $0x40, s15  }
0x3c: {  	s14 =	smul.u32 $0x10200, s14;
	v0 =	vld [tilespmem:s17+$0x30]  }
0x3d: {  	v1 =	vld [tilespmem:s17+$0xFFFFFFD0]  }
0x3e: {  	s14 =	sshrl.u32 s14, $0x2;
	v5 =	vld [tilespmem:s17+$0xFFFFFFE0]  }
0x3f: {  	v6 =	vld [tilespmem:s17+$0xFFFFFFF0];
	s15 =	sor.u32 $0x8000, s14  }
0x40: {  	s31 =	sand.u32 $0x1, s11;
	v4 =	vld [tilespmem:s17+$0x0];
	s16 =	sadd.s32 $0x0, s15  }
0x41: {  	v3 =	vld [tilespmem:s17+$0x10];
	s14 =	smul.u32 $0x10200, s31;
	[tilespmem:s16+$0x3870 ss:$0x81] =	vst.msk $0xffff, v0  }
0x42: {  	v2 =	vld [tilespmem:s17+$0x20];
	[tilespmem:s16+$0x810 ss:$0x81] =	vst.msk $0xffff, v1  }
0x43: {  	s14 =	sshrl.u32 s14, $0x2;
	v0 =	vld [tilespmem:s17+$0xFFFFFFC0];
	[tilespmem:s16+$0x1020 ss:$0x81] =	vst.msk $0xffff, v5;
	s17 =	sadd.s32 $0x80, s17  }
0x44: {  	s18 =	simm.s32 $0x4;
	s19 =	simm.s32 $0x8;
	s14 =	sor.u32 $0x8000, s14;
	[tilespmem:s16+$0x1830 ss:$0x81] =	vst.msk $0xffff, v6;
	v1 =	vld [tilespmem:s17+$0x30]  }
.LBB1_3:
0x45: {  	p1 =	sne.s32 s19, $0x1FC;
	v5 =	vld [tilespmem:s17+$0xFFFFFFD0];
	[tilespmem:s16+$0x2040 ss:$0x81] =	vst.msk $0xffff, v4  }
0x46: {  	v6 =	vld [tilespmem:s17+$0xFFFFFFE0];
	[tilespmem:s16+$0x2850 ss:$0x81] =	vst.msk $0xffff, v3  }
0x47: {  	s20 =	sshra.s32 s18, $0x2;
	s18 =	smov.u32 s19;
	v7 =	vld [tilespmem:s17+$0xFFFFFFF0];
	[tilespmem:s16+$0x3060 ss:$0x81] =	vst.msk $0xffff, v2  }
.Ltmp3:
0x48: {  	v4 =	vld [tilespmem:s17+$0x0];
	[tilespmem:s16+$0x0 ss:$0x81] =	vst.msk $0xffff, v0;
	s16 =	sadd.s32 s20, s15;
	(pc) =	sbr.rel @p1 .LBB1_3-.Ltmp3, $4  }
0x49: {  	v3 =	vld [tilespmem:s17+$0x10];
	[tilespmem:s16+$0x3870 ss:$0x81] =	vst.msk $0xffff, v1  }
0x4a: {  	[tilespmem:s16+$0x810 ss:$0x81] =	vst.msk $0xffff, v5;
	v2 =	vld [tilespmem:s17+$0x20]  }
0x4b: {  	v0 =	vld [tilespmem:s17+$0xFFFFFFC0];
	[tilespmem:s16+$0x1020 ss:$0x81] =	vst.msk $0xffff, v6;
	s17 =	sadd.s32 $0x80, s17  }
0x4c: {  	s19 =	sadd.s32 $0x4, s19;
	v1 =	vld [tilespmem:s17+$0x30];
	[tilespmem:s16+$0x1830 ss:$0x81] =	vst.msk $0xffff, v7  }
.Ltmp4:
0x4d: {  	_ = 	snop;
	(pc) =	sbr.rel .LBB1_4-.Ltmp4, $1  }
0x4e: {  	_ =	sdelay $0x3  }
.LBB1_6:
0x4f: {  	_ =	sfence.sel $0x180000  }
0x50: {  	s2 =	simm.s32 $0x1;
	[bflag:$0x0] =	sbarrier.arrive $0xFFFF  }
0x51: {  	s31 =	simm.s32 $0x2;
	[sflag:s2] =	ssyncpa.u1 $0x1  }
0x52: {  	[sflag:s31] =	ssyncpa.u1 $0x1  }
0x53: {  	p0 =	sne.s32 s0, $0x0;
	_ =	strace $0x90000047  }
0x54: {  	s0 =	sadd.s32 @!p0 $0x100000, s1;
	[bflag:$0x2] =	sbarrier.arrive $0xFFFF  }
0x55: {  	[sflag:s0] =	ssyncadd.tile.s32 @!p0 $0x1;
	_ =	shalt  }
.Lfunc_end1:
_tile_overlayer_lowered:
.L_overlay_start_2:
0x56: {  	(tag) =	ssettag $0x2  }
0x57: {  	s0 =	rddreg [dreg:$0x0];
	s2 =	stileid.u32  }
0x58: {  	s1 =	rddreg [dreg:$0x1];
	p0 =	sne.s32 s2, $0x0  }
0x59: {  	s3 =	rddreg [dreg:$0x2];
	[bflag:$0x3] =	sbarrier.arrive $0xFFFF;
	s2 =	simm.s32 @!p0 $0x1C01  }
0x5a: {  	[timem:s3], [sflag:s2] =	dma.local @!p0 [hbm:s0], s1  }
0x5b: {  	s0 =	simm.s32 @!p0 $0x1  }
0x5c: {  	_ =	swait.ge @!p0 [sflag:s0], s1  }
0x5d: {  	s1 =	ssub.s32 @!p0 $0x0, s1;
	[sflag:s0] =	ssyncset.done @!p0 $0x0  }
0x5e: {  	[sflag:s0] =	ssyncadd.s32 @!p0 s1  }
0x5f: {  	[bflag:$0x3] =	sbarrier.arrive $0xFFFF  }
0x60: {  	_ =	shalt  }

// kernel: sparse-core-data-format-call.cloned.1.call-start
scs
called_computation_lowered:
.L_overlay_start_0:
0x0: {  	s2 =	sld [smem:$0x3FD9]  }
0x1: {  	s3 =	sld [smem:$0x3FFE];
	_ =	sdelay $0x1  }
0x2: {  	s1 =	srdreg.scid  }
0x3: {  	s0 =	sand.u32 $0x1, s1  }
0x4: {  	s18 =	sshll.u32 s0, $0xA;
	s2 =	sadd.s32 s3, s2  }
0x5: {  	s2 =	sadd.s32 s2, s18  }
0x6: {  	[smem:$0x3FC7] =	sst s2  }
0x7: {  	_ = 	snop  }
0x8: {  	s2 =	sld [smem:$0x3FD0];
	(tm) =	ssettm $0x1  }
0x9: {  	s19 =	sld [smem:$0x3FFB];
	_ =	sdelay $0x3  }
0xa: {  	_ =	strace s19  }
0xb: {  	s3 =	sld [smem:$0x3FFC];
	_ =	sdelay $0x3  }
0xc: {  	_ =	strace s3  }
0xd: {  	s3 =	sld [smem:$0x3FFD];
	_ =	sdelay $0x3  }
0xe: {  	_ =	strace s3  }
0xf: {  	_ =	strace $0x8FFFFFFF  }
0x10: {  	s20 =	sld [smem:$0x3FDB];
	_ =	sdelay $0x1  }
0x11: {  	s4 =	simm.s32 $_scs_section_size  }
0x12: {  	s5 =	simm.s32 $_size__tile_overlayer_lowered;
	s6 =	simm.s32 $_tile_overlayer_lowered  }
0x13: {  	s23 =	simm.s32 $0x1BFF;
	s22 =	sshll.u32 s6, $0x1;
	s3 =	sadd.s32 s4, s20  }
0x14: {  	s7 =	simm.s32 $0x0;
	s21 =	sshll.u32 s5, $0x1;
	s5 =	sadd.s32 s22, s3  }
0x15: {  	[timem:s7], [sflag:s23] =	dma.local [hbm:s5], s21  }
0x16: {  	_ =	swait.ge [sflag:s23], s21  }
0x17: {  	s4 =	ssub.s32 $0x0, s21;
	[sflag:s23] =	ssyncset.done $0x0  }
0x18: {  	[sflag:s23] =	ssyncadd.s32 s4;
	_ =	sdelay $0x1  }
0x19: {  	s24 =	simm.s32 $0x1B8B  }
0x1a: {  	_ =	swait.ge [sflag:s24], $0x1  }
0x1b: {  	[sflag:s24] =	ssyncset.done $0x0  }
0x1c: {  	s26 =	simm.s32 $0x1B8E;
	s25 =	sld [smem:$0x3FFE];
	[sflag:s24] =	ssyncadd.s32 $0xFFFFFFFF  }
0x1d: {  	s27 =	simm.s32 $execute0_lowered;
	[smem:$0x3FD2] =	sst s26  }
0x1e: {  	s5 =	sshll.u32 s27, $0x1;
	_ =	strace $0x8000004C;
	[dreg:$0x1] =	wrdreg $0xFFFFFFFF  }
0x1f: {  	s28 =	simm.s32 $_size_execute0_lowered;
	s3 =	sadd.s32 s3, s5;
	[dreg:$0x0] =	wrdreg $0x0  }
0x20: {  	s5 =	sshll.u32 s28, $0x1;
	[dreg:$0x2] =	wrdreg s3  }
0x21: {  	[dreg:$0x3] =	wrdreg s5  }
0x22: {  	[dreg:$0x4] =	wrdreg $0xC0  }
0x23: {  	_ =	task [dreg:s7], $0x5FFFF  }
0x24: {  	[dreg:$0x1] =	wrdreg $0xFFFFFFFF  }
0x25: {  	[dreg:$0x0] =	wrdreg $0x60  }
0x26: {  	[dreg:$0x2] =	wrdreg s25  }
0x27: {  	[dreg:$0x3] =	wrdreg s2  }
0x28: {  	[dreg:$0x4] =	wrdreg $0x9  }
0x29: {  	_ =	task.clear_ibuf [dreg:s7], $0x5FFFF;
	_ =	strace $0x9000004C  }
0x2a: {  	s29 =	simm.s32 $0x9;
	_ =	strace $0x8000004E  }
0x2b: {  	_ =	swait.ge [sflag:s29], $0x1  }
0x2c: {  	[sflag:s29] =	ssyncadd.s32 $0xFFFFFFFF  }
0x2d: {  	_ =	strace $0x9000004E  }
0x2e: {  	_ =	sfence  }
0x2f: {  	s30 =	sld [smem:$0x0];
	_ =	sdelay $0x2  }
0x30: {  	s31 =	sshll.u32 s1, $0xD;
	s1 =	sshrl.u32 s1, $0x2  }
0x31: {  	s3 =	sand.u32 $0x4000, s31;
	s1 =	sadd.s32 s1, s30  }
0x32: {  	s0 =	sor.u32 s3, s0;
	s1 =	sshll.u32 s1, $0x11  }
0x33: {  	s0 =	sor.u32 s1, s0  }
0x34: {  	s0 =	sadd.s32 $0x8F2B, s0  }
0x35: {  	[sflag:s0] =	ssyncadd.remote.s32 $0x1  }
0x36: {  	_ =	sfence.sel $0xFFFF  }
0x37: {  	[dreg:$0x0] =	wrdreg $0xFFFFFFFF;
	(pc) =	sbr.abs _section_cstart, $3  }
0x38: {  	[dreg:$0x1] =	wrdreg $0xFFFFFFFF  }
0x39: {  	_ =	task.clear_ibuf [dreg:s7], $0x2FFFF;
	_ =	strace $0x9FFFFFFF  }
0x3a: {  	(tm) =	ssettm $0x7FFFFFFF  }
0x3b: {  	_ =	shalt  }
tec
execute0_lowered:
.L_overlay_start_1:
0x0: {  	(tag) =	ssettag $0x1  }
0x1: {  	s0 =	srdreg.scid  }
0x2: {  	s1 =	sshll.u32 s0, $0x4  }
0x3: {  	s6 =	rddreg [dreg:$0x0];
	s0 =	stileid.u32;
	s1 =	sand.u32 $0x10, s1  }
0x4: {  	s3 =	rddreg [dreg:$0x1];
	s1 =	sor.u32 s0, s1  }
0x5: {  	s5 =	simm.s32 $0x1;
	s31 =	simm.s32 $0x2;
	s2 =	sshll.u32 s1, $0x7  }
0x6: {  	s15 =	simm.s32 $0x0;
	s8 =	simm.s32 $0x20000;
	s4 =	ssub.s32 $0x4000, s2  }
0x7: {  	s14 =	simm.s32 $0x0;
	s9 =	simm.s32 $0x0;
	s30 =	sand.u32 $0xF80, s4  }
0x8: {  	s10 =	simm.s32 $0x0;
	s11 =	simm.s32 $0x0;
	p0 =	sne.s32 s30, $0x0  }
.Ltmp0:
0x9: {  	s7 =	sshrl.u32 s4, $0xC;
	s5 =	simm.s32 @!p0 $0x0;
	(pc) =	sbr.rel .LBB1_1-.Ltmp0, $4  }
0xa: {  	s13 =	simm.s32 $0x0;
	s1 =	rddreg [dreg:$0x2];
	s5 =	sadd.s32 s5, s7  }
0xb: {  	_ =	strace $0x8000004D;
	s4 =	simm.s32 $0x1;
	s5 =	smul.u32 $0x6, s5  }
0xc: {  	s6 =	sadd.s32 $0xC00, s6;
	s12 =	smov.u32 s2;
	[sflag:s4] =	ssyncpa.u1 $0x0  }
0xd: {  	[sflag:s31] =	ssyncpa.u1 $0x0;
	p0 =	por $0x0, $0x0;
	s7 =	sor.u32 $0x1, s5  }
.LBB1_4:
0xe: {  	s20 =	sshra.s32 s20, $0x2  }
0xf: {  	s28 =	sand.u32 $0x78, s10;
	s21 =	sshll.u32 s9, $0xE;
	s22 =	sshll.u32 s10, $0x3  }
0x10: {  	s24 =	sshll.u32 s9, $0x7;
	p1 =	sgt.s32 s9, $0x240;
	s30 =	sshra.s32 s9, $0x1F  }
0x11: {  	s26 =	sshra.s32 s10, $0x1F;
	s19 =	sadd.s32 s20, s19;
	s21 =	sand.u32 $0xFFFE0000, s21  }
0x12: {  	v5 =	vld [tilespmem:s17+$0xFFFFFFD0];
	[tilespmem:s18+$0x2040 ss:$0x81] =	vst.msk $0xffff, v4;
	s23 =	sand.u32 $0xFFFFFC00, s22;
	s29 =	sand.u32 $0x380, s24;
	s22 =	sand.u32 $0x3C00, s22  }
0x13: {  	v58 =	vld [tilespmem:s17+$0xFFFFFFE0];
	[tilespmem:s18+$0x2850 ss:$0x81] =	vst.msk $0xffff, v3;
	s21 =	sadd.s32 s23, s21;
	s20 =	sor.u32 s28, s22;
	s22 =	smov.u32 s9  }
0x14: {  	v59 =	vld [tilespmem:s17+$0xFFFFFFF0];
	[tilespmem:s18+$0x3060 ss:$0x81] =	vst.msk $0xffff, v2;
	s24 =	sand.u32 s30, s9;
	s21 =	sshrl.u32 s21, $0xE;
	s22 =	simm.s32 @!p1 $0x240  }
0x15: {  	v60 =	vld [tilespmem:s17+$0x0];
	[tilespmem:s18+$0x0 ss:$0x81] =	vst.msk $0xffff, v1;
	p1 =	sgt.s32 s10, $0x3F80;
	s31 =	ssub.s32 s22, s24;
	s22 =	smov.u32 s10  }
0x16: {  	v61 =	vld [tilespmem:s17+$0x10];
	[tilespmem:s19+$0x3870 ss:$0x81] =	vst.msk $0xffff, v0;
	s25 =	smulhi.u32 $0x5D1746, s21;
	s24 =	sand.u32 s26, s10;
	s22 =	simm.s32 @!p1 $0x3F80  }
0x17: {  	v62 =	vld [tilespmem:s17+$0x20];
	s20 =	sor.u32 s29, s20;
	[tilespmem:s19+$0x810 ss:$0x81] =	vst.msk $0xffff, v5;
	s27 =	sadd.s32 $0xFFFFFDC0, s31;
	s22 =	ssub.s32 s22, s24  }
0x18: {  	v63 =	vld [tilespmem:s17+$0xFFFFFFC0];
	[tilespmem:s19+$0x1020 ss:$0x81] =	vst.msk $0xffff, v58;
	s18 =	ssub.s32 $0x2C0, s31;
	s28 =	smul.u32 $0x2C0, s25;
	s29 =	sadd.s32 $0xFFFFC080, s22  }
0x19: {  	[tilespmem:s19+$0x1830 ss:$0x81] =	vst.msk $0xffff, v59;
	p1 =	sgt.s32 s27, $0x7F;
	s22 =	ssub.s32 $0x4000, s22;
	p2 =	sgt.s32 s29, $0x7F  }
0x1a: {  	s30 =	sand.u32 $0x7, s10;
	[tilespmem:s19+$0x2040 ss:$0x81] =	vst.msk $0xffff, v60;
	s18 =	simm.s32 @p1 $0x0;
	s22 =	simm.s32 @p2 $0x0  }
0x1b: {  	s20 =	sshrl.u32 s20, $0x3;
	[tilespmem:s19+$0x2850 ss:$0x81] =	vst.msk $0xffff, v61;
	s17 =	ssub.s32 s21, s28;
	s18 =	smul.u32 s22, s18  }
0x1c: {  	[tilespmem:s19+$0x3060 ss:$0x81] =	vst.msk $0xffff, v62;
	s20 =	sadd.s32 s3, s20;
	s21 =	sshll.u32 s30, $0x12;
	s17 =	sshll.u32 s17, $0xB  }
0x1d: {  	[tilespmem:s19+$0x0 ss:$0x81] =	vst.msk $0xffff, v63;
	s31 =	sor.u32 $0x400, s21;
	s17 =	sadd.s32 s17, s20;
	s18 =	sand.u32 $0x3FFFFFFF, s18  }
0x1e: {  	[hbm4b:s17+s31] =	stream.strided.scatter [tilespmem:s16], [sflag:$0x2], s18, s8, s31, $0x20;
	[tilespmem:$0x10100] =	vst v63  }
.LBB1_5:
0x1f: {  	p1 =	slt.u32 s13, $0x2  }
0x20: {  	s17 =	smov.u32 s15;
	p2 =	sgt.s32 @!p1 s15, $0x240;
	s16 =	sshra.s32 @!p1 s15, $0x1F  }
0x21: {  	p3 =	sgt.s32 @!p1 s14, $0x3F80;
	s18 =	sshra.s32 @!p1 s14, $0x1F;
	p2 =	por !p2, p1  }
0x22: {  	s15 =	sand.u32 @!p1 s16, s15;
	p3 =	por !p3, p1;
	s16 =	smov.u32 s14  }
0x23: {  	s14 =	sand.u32 @!p1 s18, s14;
	s17 =	simm.s32 @p2 $0x240;
	s16 =	simm.s32 @p3 $0x3F80  }
0x24: {  	s15 =	ssub.s32 @!p1 s17, s15;
	s14 =	ssub.s32 @!p1 s16, s14  }
0x25: {  	s18 =	smov.u32 s12;
	s16 =	sadd.s32 @!p1 $0xFFFFFDC0, s15;
	s17 =	sadd.s32 @!p1 $0xFFFFC080, s14  }
0x26: {  	s15 =	ssub.s32 @!p1 $0x2C0, s15;
	p2 =	sgt.s32 @!p1 s16, $0x7F;
	p3 =	sgt.s32 @!p1 s17, $0x7F  }
0x27: {  	s14 =	ssub.s32 @!p1 $0x4000, s14;
	p2 =	por !p2, p1;
	p3 =	por !p3, p1  }
0x28: {  	s16 =	sadd.s32 $0x80, s11;
	s15 =	simm.s32 @!p2 $0x0;
	s14 =	simm.s32 @!p3 $0x0  }
0x29: {  	p2 =	sgt.s32 s16, $0x2BF;
	s14 =	smul.u32 @!p1 s14, s15;
	s15 =	sadd.s32 $0x1000, s12  }
0x2a: {  	s18 =	smov.u32 @p2 s15  }
0x2b: {  	s16 =	simm.s32 @p2 $0x0;
	p2 =	sgt.s32 s18, $0x3FFF  }
0x2c: {  	s18 =	smov.u32 @p2 s2;
	p2 =	sne.s32 s13, s7  }
.Ltmp1:
0x2d: {  	p0 =	por !p0, !p0;
	s17 =	simm.s32 @!p1 $0x2;
	(pc) =	sbr.rel @!p2 .LBB1_6-.Ltmp1, $4  }
0x2e: {  	s15 =	smov.u32 s9;
	s9 =	smov.u32 s11;
	s14 =	sand.u32 @!p1 $0x3FFFFFFF, s14  }
0x2f: {  	s11 =	smov.u32 s16;
	_ =	swait.ge @!p1 [sflag:s17], s14;
	s19 =	ssub.s32 @!p1 $0x0, s14  }
0x30: {  	s14 =	smov.u32 s10;
	s13 =	sadd.s32 $0x1, s13;
	[sflag:s17] =	ssyncset.done @!p1 $0x0  }
0x31: {  	s10 =	smov.u32 s12;
	s12 =	smov.u32 s18;
	[sflag:s17] =	ssyncadd.s32 @!p1 s19  }
.LBB1_1:
0x32: {  	p1 =	sge.u32 s13, s5  }
0x33: {  	s16 =	sshrl.u32 @!p1 s12, $0x3  }
0x34: {  	s17 =	sshll.u32 @!p1 s11, $0x3;
	s16 =	smul.u32 @!p1 $0x1800, s16  }
0x35: {  	s18 =	sshll.u32 @!p1 s12, $0x7;
	s17 =	sand.u32 @!p1 $0xFFFFFC00, s17  }
0x36: {  	s16 =	sadd.s32 @!p1 s16, s17;
	s17 =	sand.u32 @!p1 $0x380, s18  }
0x37: {  	s18 =	sand.u32 @!p1 $0x7F, s11;
	s16 =	sor.u32 @!p1 s17, s16  }
0x38: {  	s17 =	sor.u32 @!p1 s18, s16  }
0x39: {  	s18 =	smulhi.u32 @!p1 $0xAAAAAAAB, s17;
	_ =	sdelay $0x1  }
0x3a: {  	s16 =	smulhi.u32 @!p1 $0xAAAAAAAB, s16;
	s18 =	sshrl.u32 @!p1 s18, $0x9  }
0x3b: {  	s18 =	smul.u32 @!p1 $0x300, s18  }
0x3c: {  	s31 =	sadd.s32 $0xFFFFFFFF, s13;
	s19 =	sxor.u32 @!p1 $0xFFFFFFFF, s13;
	s16 =	sshrl.u32 @!p1 s16, $0x9  }
0x3d: {  	s19 =	sshll.u32 @!p1 s19, $0xE;
	s16 =	sand.u32 @!p1 $0x3FFF, s16;
	s17 =	ssub.s32 @!p1 s17, s18  }
0x3e: {  	s16 =	smul.u32 @!p1 $0x60, s16;
	s18 =	sshrl.u32 @!p1 s17, $0x3;
	s17 =	sand.u32 @!p1 $0x7, s17  }
0x3f: {  	s19 =	sand.u32 @!p1 $0x4000, s19;
	s18 =	sadd.s32 @!p1 s6, s18;
	s17 =	sshll.u32 @!p1 s17, $0x12  }
0x40: {  	s16 =	sadd.s32 @!p1 s16, s18;
	s17 =	sor.u32 @!p1 $0x400, s17;
	s18 =	simm.s32 @!p1 $0x1800  }
0x41: {  	[tilespmem:s19], [sflag:$0x1] =	stream.strided.gather @!p1 [hbm4b:s16+s17], $0x4000, s18, s17, $0x38;
	[tilespmem:$0x10100] =	vst v63  }
0x42: {  	p1 =	sge.u32 s31, s5  }
.Ltmp2:
0x43: {  	_ = 	snop;
	(pc) =	sbr.rel @p1 .LBB1_5-.Ltmp2, $1  }
0x44: {  	_ =	sdelay $0x3  }
0x45: {  	s16 =	simm.s32 $0x1  }
0x46: {  	_ =	swait.ge [sflag:s4], $0x4000;
	s16 =	simm.s32 @!p0 $0x0  }
0x47: {  	[sflag:s4] =	ssyncset.done $0x0;
	s17 =	sshll.u32 s16, $0xE  }
0x48: {  	[sflag:s4] =	ssyncadd.s32 $0xFFFFC000;
	s17 =	sor.u32 $0x40, s17  }
0x49: {  	s16 =	smul.u32 $0x10200, s16;
	v0 =	vld [tilespmem:s17+$0x30]  }
0x4a: {  	v1 =	vld [tilespmem:s17+$0xFFFFFFD0]  }
0x4b: {  	s16 =	sshrl.u32 s16, $0x2;
	v5 =	vld [tilespmem:s17+$0xFFFFFFE0]  }
0x4c: {  	v6 =	vld [tilespmem:s17+$0xFFFFFFF0];
	s19 =	sor.u32 $0x8000, s16  }
0x4d: {  	s31 =	sand.u32 $0x1, s13;
	v4 =	vld [tilespmem:s17+$0x0];
	s18 =	sadd.s32 $0x0, s19  }
0x4e: {  	v3 =	vld [tilespmem:s17+$0x10];
	s16 =	smul.u32 $0x10200, s31;
	[tilespmem:s18+$0x3870 ss:$0x81] =	vst.msk $0xffff, v0  }
0x4f: {  	v2 =	vld [tilespmem:s17+$0x20];
	[tilespmem:s18+$0x810 ss:$0x81] =	vst.msk $0xffff, v1  }
0x50: {  	s16 =	sshrl.u32 s16, $0x2;
	v1 =	vld [tilespmem:s17+$0xFFFFFFC0];
	[tilespmem:s18+$0x1020 ss:$0x81] =	vst.msk $0xffff, v5;
	s17 =	sadd.s32 $0x80, s17  }
0x51: {  	s20 =	simm.s32 $0x4;
	s21 =	simm.s32 $0x8;
	s16 =	sor.u32 $0x8000, s16;
	[tilespmem:s18+$0x1830 ss:$0x81] =	vst.msk $0xffff, v6;
	v0 =	vld [tilespmem:s17+$0x30]  }
.LBB1_3:
0x52: {  	p1 =	sne.s32 s21, $0x1FC;
	v5 =	vld [tilespmem:s17+$0xFFFFFFD0];
	[tilespmem:s18+$0x2040 ss:$0x81] =	vst.msk $0xffff, v4  }
0x53: {  	v6 =	vld [tilespmem:s17+$0xFFFFFFE0];
	[tilespmem:s18+$0x2850 ss:$0x81] =	vst.msk $0xffff, v3  }
0x54: {  	s22 =	sshra.s32 s20, $0x2;
	s20 =	smov.u32 s21;
	v7 =	vld [tilespmem:s17+$0xFFFFFFF0];
	[tilespmem:s18+$0x3060 ss:$0x81] =	vst.msk $0xffff, v2  }
.Ltmp3:
0x55: {  	v4 =	vld [tilespmem:s17+$0x0];
	[tilespmem:s18+$0x0 ss:$0x81] =	vst.msk $0xffff, v1;
	s18 =	sadd.s32 s22, s19;
	(pc) =	sbr.rel @p1 .LBB1_3-.Ltmp3, $4  }
0x56: {  	v3 =	vld [tilespmem:s17+$0x10];
	[tilespmem:s18+$0x3870 ss:$0x81] =	vst.msk $0xffff, v0  }
0x57: {  	[tilespmem:s18+$0x810 ss:$0x81] =	vst.msk $0xffff, v5;
	v2 =	vld [tilespmem:s17+$0x20]  }
0x58: {  	v1 =	vld [tilespmem:s17+$0xFFFFFFC0];
	[tilespmem:s18+$0x1020 ss:$0x81] =	vst.msk $0xffff, v6;
	s17 =	sadd.s32 $0x80, s17  }
0x59: {  	s21 =	sadd.s32 $0x4, s21;
	v0 =	vld [tilespmem:s17+$0x30];
	[tilespmem:s18+$0x1830 ss:$0x81] =	vst.msk $0xffff, v7  }
.Ltmp4:
0x5a: {  	_ = 	snop;
	(pc) =	sbr.rel .LBB1_4-.Ltmp4, $1  }
0x5b: {  	_ =	sdelay $0x3  }
.LBB1_6:
0x5c: {  	_ =	sfence.sel $0x180000  }
0x5d: {  	s2 =	simm.s32 $0x1;
	[bflag:$0x0] =	sbarrier.arrive $0xFFFF  }
0x5e: {  	s31 =	simm.s32 $0x2;
	[sflag:s2] =	ssyncpa.u1 $0x1  }
0x5f: {  	[sflag:s31] =	ssyncpa.u1 $0x1  }
0x60: {  	p0 =	sne.s32 s0, $0x0;
	_ =	strace $0x9000004D  }
0x61: {  	s0 =	sadd.s32 @!p0 $0x100000, s1;
	[bflag:$0x2] =	sbarrier.arrive $0xFFFF  }
0x62: {  	[sflag:s0] =	ssyncadd.tile.s32 @!p0 $0x1;
	_ =	shalt  }
.Lfunc_end1:
_tile_overlayer_lowered:
.L_overlay_start_2:
0x63: {  	(tag) =	ssettag $0x2  }
0x64: {  	s0 =	rddreg [dreg:$0x0];
	s2 =	stileid.u32  }
0x65: {  	s1 =	rddreg [dreg:$0x1];
	p0 =	sne.s32 s2, $0x0  }
0x66: {  	s3 =	rddreg [dreg:$0x2];
	[bflag:$0x3] =	sbarrier.arrive $0xFFFF;
	s2 =	simm.s32 @!p0 $0x1C01  }
0x67: {  	[timem:s3], [sflag:s2] =	dma.local @!p0 [hbm:s0], s1  }
0x68: {  	s0 =	simm.s32 @!p0 $0x1  }
0x69: {  	_ =	swait.ge @!p0 [sflag:s0], s1  }
0x6a: {  	s1 =	ssub.s32 @!p0 $0x0, s1;
	[sflag:s0] =	ssyncset.done @!p0 $0x0  }
0x6b: {  	[sflag:s0] =	ssyncadd.s32 @!p0 s1  }
0x6c: {  	[bflag:$0x3] =	sbarrier.arrive $0xFFFF  }
0x6d: {  	_ =	shalt  }

</sc_bundles>
